<compile_context>
chip_gen: v7x
topology: tpu7x:2x2x1
jax: 0.10.2.dev20260603
libtpu: 0.0.44.dev20260713+nightly
codegen_flags: <defaults>
</compile_context>

<pallas_src>
import jax
import jax.numpy as jnp
from jax import lax
from jax.experimental import pallas as pl
from jax.experimental.pallas import tpu as pltpu
from jax.experimental.pallas import tpu_sc as plsc

_ROW = 6
_N = 24
_L = 16


def _sc_body(z_hbm, bmask_hbm, out_hbm, zv, bv, zsem, bsem):
    zcopy = pltpu.async_copy(z_hbm, zv.at[pl.ds(0, _N)], zsem)
    bcopy = pltpu.async_copy(bmask_hbm, bv.at[pl.ds(0, 2)], bsem)
    bcopy.wait()
    lanes = lax.iota(jnp.int32, _L)
    bvec = bv[...]
    b0 = jnp.sum(jnp.where(lanes == 0, bvec, 0))
    b1 = jnp.sum(jnp.where(lanes == 1, bvec, 0))
    zcopy.wait()
    for chunk in range(2):
        flat = lanes + chunk * _L
        row = lax.div(flat, _ROW)
        member = jnp.logical_or(row == b0, row == b1)
        vals = zv[pl.ds(chunk * _L, _L)]
        zv[pl.ds(chunk * _L, _L)] = jnp.where(member, vals - 0.1, vals)
    pltpu.sync_copy(zv.at[pl.ds(0, _N)], out_hbm)


def kernel(z, bmask):
    zf = jnp.reshape(z, (_N,))
    mesh = plsc.VectorSubcoreMesh(
        core_axis_name="c", subcore_axis_name="s",
        num_cores=1, num_subcores=1)
    run = pl.kernel(
        _sc_body,
        mesh=mesh,
        out_type=jax.ShapeDtypeStruct((_N,), jnp.float32),
        compiler_params=pltpu.CompilerParams(needs_layout_passes=False),
        scratch_types=[
            pltpu.VMEM((2 * _L,), jnp.float32),
            pltpu.VMEM((_L,), jnp.int32),
            pltpu.SemaphoreType.DMA,
            pltpu.SemaphoreType.DMA,
        ],
    )
    return jnp.reshape(run(zf, bmask), z.shape)

# --- scband reference (transcript-rebuilt; emitter-appended) ---
"""Pipeline reference for scband-child-51135880626920 (READ-ONLY COPY).

The authoritative reference and input builder live on the scoring server;
editing this copy changes nothing except your own understanding.
"""

import jax, jax.numpy as jnp
import numpy as np

def setup_inputs(seed: int = 0) -> dict:
    key = jax.random.key(seed)
    k1, k2 = jax.random.split(key)
    # parameter z is hardcoded in the module as torch.rand(4, 2, 3)
    z = jax.random.uniform(k1, (4, 2, 3), dtype=jnp.float32)
    # bmask indexes the first dim of z (size 4)
    bmask = jax.random.randint(k2, (2,), 0, 4, dtype=jnp.int32)
    return {"z": z, "bmask": bmask}

def reference(z, bmask):
    # torch: self.z[bmask] -= 0.1  ==  z[bmask] = z[bmask] - 0.1 (non-accumulating scatter overwrite)
    gathered = jnp.take(z, bmask, axis=0)
    z_new = z.at[bmask].set(gathered - 0.1)
    return z_new

if __name__ == "__main__":
    import jax
    _d = setup_inputs()
    print(jax.jit(kernel)(*tuple(_d.values())))

</pallas_src>

<mosaic_0001>
#map = affine_map<(d0, d1) -> (0)>
module attributes {stable_mosaic.version = 14 : i64} {
  func.func @_sc_body(%arg0: i32, %arg1: i32, %arg2: memref<24xf32, #tpu.memory_space<hbm>>, %arg3: memref<2xi32, #tpu.memory_space<hbm>>, %arg4: memref<24xf32, #tpu.memory_space<hbm>>, %arg5: memref<32xf32, #tpu.memory_space<vmem>>, %arg6: memref<16xi32, #tpu.memory_space<vmem>>, %arg7: memref<!tpu.dma_semaphore, #tpu.memory_space<semaphore_mem>>, %arg8: memref<!tpu.dma_semaphore, #tpu.memory_space<semaphore_mem>>) attributes {dimension_semantics = [#tpu.dimension_semantics<core_parallel>, #tpu.dimension_semantics<subcore_parallel>], iteration_bounds = array<i64: 1, 1>, scalar_prefetch = 0 : i64, scratch_operands = 4 : i64, tpu.core_type = #tpu.core_type<sc_vector_subcore>, window_params = [{transform_indices = #map}, {transform_indices = #map}, {transform_indices = #map}]} {
    %dma_start3A = arith.constant 0 : i32
    %dma_start3A_0 = tpu.memref_slice %arg5[%dma_start3A] : memref<32xf32, #tpu.memory_space<vmem>> -> memref<24xf32, #tpu.memory_space<vmem>>
    %dma_start3A_1 = arith.constant 0 : i32
    %dma_start3A_2 = tpu.memref_slice %arg5[%dma_start3A_1] : memref<32xf32, #tpu.memory_space<vmem>> -> memref<24xf32, #tpu.memory_space<vmem>>
    tpu.enqueue_dma source(%arg2 : memref<24xf32, #tpu.memory_space<hbm>>) target(%dma_start3A_2 : memref<24xf32, #tpu.memory_space<vmem>>) target_semaphore(%arg7 : memref<!tpu.dma_semaphore, #tpu.memory_space<semaphore_mem>>)
    %dma_start3A_3 = arith.constant 0 : i32
    %dma_start3A_4 = tpu.memref_slice %arg6[%dma_start3A_3] : memref<16xi32, #tpu.memory_space<vmem>> -> memref<2xi32, #tpu.memory_space<vmem>>
    %dma_start3A_5 = arith.constant 0 : i32
    %dma_start3A_6 = tpu.memref_slice %arg6[%dma_start3A_5] : memref<16xi32, #tpu.memory_space<vmem>> -> memref<2xi32, #tpu.memory_space<vmem>>
    tpu.enqueue_dma source(%arg3 : memref<2xi32, #tpu.memory_space<hbm>>) target(%dma_start3A_6 : memref<2xi32, #tpu.memory_space<vmem>>) target_semaphore(%arg8 : memref<!tpu.dma_semaphore, #tpu.memory_space<semaphore_mem>>)
    %dma_wait3A = arith.constant 0 : i32
    %dma_wait3A_7 = tpu.memref_slice %arg6[%dma_wait3A] : memref<16xi32, #tpu.memory_space<vmem>> -> memref<2xi32, #tpu.memory_space<vmem>>
    %dma_wait3A_8 = arith.constant 0 : i32
    %dma_wait3A_9 = tpu.memref_slice %arg6[%dma_wait3A_8] : memref<16xi32, #tpu.memory_space<vmem>> -> memref<2xi32, #tpu.memory_space<vmem>>
    tpu.wait_dma2 semaphore(%arg8 : memref<!tpu.dma_semaphore, #tpu.memory_space<semaphore_mem>>) src(%arg3 : memref<2xi32, #tpu.memory_space<hbm>>) dst(%dma_wait3A_9 : memref<2xi32, #tpu.memory_space<vmem>>)
    %iota3A = tpu.iota {dimensions = array<i32: 0>} : vector<16xi32>
    %get3A = arith.constant 0 : index
    %get3A_10 = tpu.vector_load %arg6[%get3A] {strides = array<i32>} : memref<16xi32, #tpu.memory_space<vmem>>, vector<16xi32>,
    %eq3A = arith.constant 0 : i32
    %eq3A_11 = vector.broadcast %eq3A : i32 to vector<16xi32>
    %eq3A_12 = arith.cmpi eq, %iota3A, %eq3A_11 : vector<16xi32>
    %jit3A = arith.constant 0 : i32
    %broadcast_in_dim3A = vector.broadcast %jit3A : i32 to vector<16xi32>
    %select_n3A = arith.select %eq3A_12, %get3A_10, %broadcast_in_dim3A : vector<16xi1>, vector<16xi32>
    %reduce_sum3A = arith.constant true
    %reduce_sum3A_13 = vector.broadcast %reduce_sum3A : i1 to vector<16xi1>
    %reduce_sum3A_14 = tpu.scan <sum>, %select_n3A masked %reduce_sum3A_13 : vector<16xi32>, vector<16xi1> -> vector<16xi32>
    %reduce_sum3A_15 = vector.extract %reduce_sum3A_14[15] : i32 from vector<16xi32>
    %eq3A_16 = arith.constant 1 : i32
    %eq3A_17 = vector.broadcast %eq3A_16 : i32 to vector<16xi32>
    %eq3A_18 = arith.cmpi eq, %iota3A, %eq3A_17 : vector<16xi32>
    %jit3A_19 = arith.constant 0 : i32
    %broadcast_in_dim3A_20 = vector.broadcast %jit3A_19 : i32 to vector<16xi32>
    %select_n3A_21 = arith.select %eq3A_18, %get3A_10, %broadcast_in_dim3A_20 : vector<16xi1>, vector<16xi32>
    %reduce_sum3A_22 = arith.constant true
    %reduce_sum3A_23 = vector.broadcast %reduce_sum3A_22 : i1 to vector<16xi1>
    %reduce_sum3A_24 = tpu.scan <sum>, %select_n3A_21 masked %reduce_sum3A_23 : vector<16xi32>, vector<16xi1> -> vector<16xi32>
    %reduce_sum3A_25 = vector.extract %reduce_sum3A_24[15] : i32 from vector<16xi32>
    %dma_wait3A_26 = arith.constant 0 : i32
    %dma_wait3A_27 = tpu.memref_slice %arg5[%dma_wait3A_26] : memref<32xf32, #tpu.memory_space<vmem>> -> memref<24xf32, #tpu.memory_space<vmem>>
    %dma_wait3A_28 = arith.constant 0 : i32
    %dma_wait3A_29 = tpu.memref_slice %arg5[%dma_wait3A_28] : memref<32xf32, #tpu.memory_space<vmem>> -> memref<24xf32, #tpu.memory_space<vmem>>
    tpu.wait_dma2 semaphore(%arg7 : memref<!tpu.dma_semaphore, #tpu.memory_space<semaphore_mem>>) src(%arg2 : memref<24xf32, #tpu.memory_space<hbm>>) dst(%dma_wait3A_29 : memref<24xf32, #tpu.memory_space<vmem>>)
    %add3A = arith.constant 0 : i32
    %add3A_30 = vector.broadcast %add3A : i32 to vector<16xi32>
    %add3A_31 = arith.addi %iota3A, %add3A_30 : vector<16xi32>
    %div3A = arith.constant 6 : i32
    %div3A_32 = vector.broadcast %div3A : i32 to vector<16xi32>
    %div3A_33 = arith.divsi %add3A_31, %div3A_32 : vector<16xi32>
    %eq3A_34 = vector.broadcast %reduce_sum3A_15 : i32 to vector<16xi32>
    %eq3A_35 = arith.cmpi eq, %div3A_33, %eq3A_34 : vector<16xi32>
    %eq3A_36 = vector.broadcast %reduce_sum3A_25 : i32 to vector<16xi32>
    %eq3A_37 = arith.cmpi eq, %div3A_33, %eq3A_36 : vector<16xi32>
    %or3A = arith.ori %eq3A_35, %eq3A_37 : vector<16xi1>
    %get3A_38 = arith.constant 0 : index
    %get3A_39 = tpu.vector_load %arg5[%get3A_38] {strides = array<i32>} : memref<32xf32, #tpu.memory_space<vmem>>, vector<16xf32>,
    %sub3A = arith.constant 1.000000e-01 : f32
    %sub3A_40 = vector.broadcast %sub3A : f32 to vector<16xf32>
    %sub3A_41 = arith.subf %get3A_39, %sub3A_40 : vector<16xf32>
    %select_n3A_42 = arith.select %or3A, %sub3A_41, %get3A_39 : vector<16xi1>, vector<16xf32>
    %swap3A = arith.constant 0 : index
    %swap3A_43 = tpu.vector_load %arg5[%swap3A] {strides = array<i32>} : memref<32xf32, #tpu.memory_space<vmem>>, vector<16xf32>,
    tpu.vector_store %arg5[%swap3A], %select_n3A_42 {strides = array<i32>} : memref<32xf32, #tpu.memory_space<vmem>>, vector<16xf32>,
    %add3A_44 = arith.constant 16 : i32
    %add3A_45 = vector.broadcast %add3A_44 : i32 to vector<16xi32>
    %add3A_46 = arith.addi %iota3A, %add3A_45 : vector<16xi32>
    %div3A_47 = arith.constant 6 : i32
    %div3A_48 = vector.broadcast %div3A_47 : i32 to vector<16xi32>
    %div3A_49 = arith.divsi %add3A_46, %div3A_48 : vector<16xi32>
    %eq3A_50 = vector.broadcast %reduce_sum3A_15 : i32 to vector<16xi32>
    %eq3A_51 = arith.cmpi eq, %div3A_49, %eq3A_50 : vector<16xi32>
    %eq3A_52 = vector.broadcast %reduce_sum3A_25 : i32 to vector<16xi32>
    %eq3A_53 = arith.cmpi eq, %div3A_49, %eq3A_52 : vector<16xi32>
    %or3A_54 = arith.ori %eq3A_51, %eq3A_53 : vector<16xi1>
    %get3A_55 = arith.constant 16 : index
    %get3A_56 = tpu.vector_load %arg5[%get3A_55] {strides = array<i32>} : memref<32xf32, #tpu.memory_space<vmem>>, vector<16xf32>,
    %sub3A_57 = arith.constant 1.000000e-01 : f32
    %sub3A_58 = vector.broadcast %sub3A_57 : f32 to vector<16xf32>
    %sub3A_59 = arith.subf %get3A_56, %sub3A_58 : vector<16xf32>
    %select_n3A_60 = arith.select %or3A_54, %sub3A_59, %get3A_56 : vector<16xi1>, vector<16xf32>
    %swap3A_61 = arith.constant 16 : index
    %swap3A_62 = tpu.vector_load %arg5[%swap3A_61] {strides = array<i32>} : memref<32xf32, #tpu.memory_space<vmem>>, vector<16xf32>,
    tpu.vector_store %arg5[%swap3A_61], %select_n3A_60 {strides = array<i32>} : memref<32xf32, #tpu.memory_space<vmem>>, vector<16xf32>,
    "tpu.region"() ({
      %run_scoped3A = tpu.sem_alloc : memref<!tpu.dma_semaphore, #tpu.memory_space<semaphore_mem>>
      %dma_start3A_63 = arith.constant 0 : i32
      %dma_start3A_64 = tpu.memref_slice %arg5[%dma_start3A_63] : memref<32xf32, #tpu.memory_space<vmem>> -> memref<24xf32, #tpu.memory_space<vmem>>
      %dma_start3A_65 = arith.constant 0 : i32
      %dma_start3A_66 = tpu.memref_slice %arg5[%dma_start3A_65] : memref<32xf32, #tpu.memory_space<vmem>> -> memref<24xf32, #tpu.memory_space<vmem>>
      tpu.enqueue_dma source(%dma_start3A_66 : memref<24xf32, #tpu.memory_space<vmem>>) target(%arg4 : memref<24xf32, #tpu.memory_space<hbm>>) target_semaphore(%run_scoped3A : memref<!tpu.dma_semaphore, #tpu.memory_space<semaphore_mem>>)
      %dma_wait3A_67 = arith.constant 0 : i32
      %dma_wait3A_68 = tpu.memref_slice %arg5[%dma_wait3A_67] : memref<32xf32, #tpu.memory_space<vmem>> -> memref<24xf32, #tpu.memory_space<vmem>>
      %dma_wait3A_69 = arith.constant 0 : i32
      %dma_wait3A_70 = tpu.memref_slice %arg5[%dma_wait3A_69] : memref<32xf32, #tpu.memory_space<vmem>> -> memref<24xf32, #tpu.memory_space<vmem>>
      tpu.wait_dma2 semaphore(%run_scoped3A : memref<!tpu.dma_semaphore, #tpu.memory_space<semaphore_mem>>) src(%dma_wait3A_70 : memref<24xf32, #tpu.memory_space<vmem>>) dst(%arg4 : memref<24xf32, #tpu.memory_space<hbm>>)
      tpu.yield
    }) : () -> ()
    return
  }
}

</mosaic_0001>

<sc_bundles>
// kernel: kernel.3.cloned.1.call-start
scs
__scs_entry_jumppad:
0x0: {  	(pc) =	sbr.rel $0x88, $3  }
0x1: {  	(tag) =	ssettag $0x0;
	lr =	simm.s32 $0x1  }
0x2: {  	[smem:$0x3F9F] =	sst lr;
	_ =	strace $0xD0000000  }
0x3: {  	_ = 	snop  }
0x4: {  	_ = 	snop  }
0x5: {  	_ = 	snop  }
0x6: {  	_ = 	snop  }
0x7: {  	_ = 	snop  }
__scs_overlays_trampoline_lowered:
0x8: {  	[smem:$0x3FAE] =	sst s0  }
0x9: {  	[smem:$0x3FAF] =	sst s1  }
0xa: {  	[smem:$0x3FB0] =	sst s2  }
0xb: {  	[smem:$0x3FB1] =	sst s3  }
0xc: {  	[smem:$0x3FB2] =	sst s4  }
0xd: {  	[smem:$0x3FB3] =	sst s5  }
0xe: {  	[smem:$0x3FB4] =	sst s6  }
0xf: {  	[smem:$0x3FB5] =	sst s7  }
0x10: {  	[smem:$0x3FB6] =	sst s8  }
0x11: {  	[smem:$0x3FB7] =	sst s9;
	s0 =	simm.s32 @!p0 $0x0  }
0x12: {  	s1 =	sld [smem:$0x3F9D];
	s0 =	simm.s32 @p0 $0x1  }
0x13: {  	[smem:$0x3FB8] =	sst s0;
	s0 =	simm.s32 @!p1 $0x0  }
0x14: {  	s2 =	sld [smem:$0x3F9C];
	s0 =	simm.s32 @p1 $0x1  }
0x15: {  	[smem:$0x3FB9] =	sst s0;
	s0 =	simm.s32 @!p2 $0x0  }
0x16: {  	s3 =	sld [smem:$0x3FDB];
	s0 =	simm.s32 @p2 $0x1  }
0x17: {  	s4 =	simm.s32 $0x1BF5;
	[smem:$0x3FBB] =	sst s0  }
0x18: {  	s0 =	sld [smem:$0x3F9E];
	_ =	swait.ge [sflag:s4], $0x0  }
0x19: {  	s7 =	sld [smem:$0x3F9F]  }
0x1a: {  	s8 =	sadd.s32 $0xFFFFE003, lr  }
0x1b: {  	s9 =	sadd.s32 $0xFFFFFEF7, lr;
	s5 =	simm.s32 $0xFFFFFFFF;
	p2 =	slt.u32 s8, $0xFFFFF086  }
0x1c: {  	p1 =	slt.u32 s9, $0xF7A;
	s5 =	simm.s32 @!p2 $0x0  }
0x1d: {  	s5 =	simm.s32 @p1 $0x1;
	p0 =	seq.s32 s7, s2  }
0x1e: {  	s7 =	smul.u32 @!p0 $0xF7A, s2;
	p2 =	seq.s32 @!p0 s5, $0x0  }
0x1f: {  	s9 =	smul.u32 $0xF7A, s1;
	s8 =	simm.s32 @!p0 $0x1BF5;
	p2 =	por !p2, p0  }
0x20: {  	[sflag:s8] =	ssyncset.s32 @!p0 $0xFFFFF086;
	s6 =	sadd.s32 @!p0 s3, s7;
	s7 =	simm.s32 @!p0 $0x108  }
0x21: {  	s3 =	sadd.s32 s3, s9;
	s6 =	sadd.s32 @!p0 $0x88, s6;
	s7 =	simm.s32 @p2 $0x1082  }
0x22: {  	[simem:s7], [sflag:s8] =	dma.local @!p0 [hbm:s6], $0xF7A  }
0x23: {  	s9 =	sor.u32 $0xD0000000, s2;
	s6 =	simm.s32 $0x108;
	_ =	swait.ge @!p0 [sflag:s8], $0x0  }
0x24: {  	s3 =	sadd.s32 $0x88, s3;
	s6 =	simm.s32 @!p1 $0x1082;
	[sflag:s4] =	ssyncset.s32 $0xFFFFF086  }
0x25: {  	[simem:s6], [sflag:s4] =	dma.local [hbm:s3], $0xF7A  }
0x26: {  	[smem:$0x3F9F] =	sst s1;
	(tag) =	ssettag s2;
	_ =	strace s9  }
0x27: {  	s1 =	sld [smem:$0x3FAF]  }
0x28: {  	s2 =	sld [smem:$0x3FB0]  }
0x29: {  	s4 =	sld [smem:$0x3FB2]  }
0x2a: {  	p0 =	seq.s32 s5, $0x0;
	s5 =	sld [smem:$0x3FB3]  }
0x2b: {  	s6 =	sld [smem:$0x3FB4]  }
0x2c: {  	s7 =	sld [smem:$0x3FB5]  }
0x2d: {  	s3 =	simm.s32 $0x108;
	s8 =	sld [smem:$0x3FB6]  }
0x2e: {  	s3 =	simm.s32 @!p0 $0x1082;
	s9 =	sld [smem:$0x3FB7]  }
0x2f: {  	lr =	sadd.s32 s0, s3;
	s0 =	sld [smem:$0x3FAE]  }
0x30: {  	s3 =	sld [smem:$0x3FB1]  }
0x31: {  	[smem:$0x3FBA] =	sst s10  }
0x32: {  	s10 =	sld [smem:$0x3FB8];
	_ =	sdelay $0x3  }
0x33: {  	p0 =	seq.s32 s10, $0x1;
	s10 =	sld [smem:$0x3FBA];
	_ =	sdelay $0x3  }
0x34: {  	[smem:$0x3FBA] =	sst s10  }
0x35: {  	s10 =	sld [smem:$0x3FB9];
	_ =	sdelay $0x3  }
0x36: {  	p1 =	seq.s32 s10, $0x1;
	s10 =	sld [smem:$0x3FBA];
	_ =	sdelay $0x3  }
0x37: {  	[smem:$0x3FBA] =	sst s10  }
0x38: {  	s10 =	sld [smem:$0x3FBB]  }
0x39: {  	_ = 	snop;
	(pc) =	sbr.ind lr, $3  }
0x3a: {  	_ = 	snop  }
0x3b: {  	_ = 	snop  }
0x3c: {  	p2 =	seq.s32 s10, $0x1;
	s10 =	sld [smem:$0x3FBA]  }
0x3d: {  	_ =	shalt  }
0x3e: {  	_ =	shalt  }
0x3f: {  	_ =	shalt  }
0x40: {  	_ =	shalt  }
0x41: {  	_ =	shalt  }
0x42: {  	_ =	shalt  }
0x43: {  	_ =	shalt  }
0x44: {  	_ =	shalt  }
0x45: {  	_ =	shalt  }
0x46: {  	_ =	shalt  }
0x47: {  	_ =	shalt  }
0x48: {  	_ =	shalt  }
0x49: {  	_ =	shalt  }
0x4a: {  	_ =	shalt  }
0x4b: {  	_ =	shalt  }
0x4c: {  	_ =	shalt  }
0x4d: {  	_ =	shalt  }
0x4e: {  	_ =	shalt  }
0x4f: {  	_ =	shalt  }
0x50: {  	_ =	shalt  }
0x51: {  	_ =	shalt  }
0x52: {  	_ =	shalt  }
0x53: {  	_ =	shalt  }
0x54: {  	_ =	shalt  }
0x55: {  	_ =	shalt  }
0x56: {  	_ =	shalt  }
0x57: {  	_ =	shalt  }
0x58: {  	_ =	shalt  }
0x59: {  	_ =	shalt  }
0x5a: {  	_ =	shalt  }
0x5b: {  	_ =	shalt  }
0x5c: {  	_ =	shalt  }
0x5d: {  	_ =	shalt  }
0x5e: {  	_ =	shalt  }
0x5f: {  	_ =	shalt  }
0x60: {  	_ =	shalt  }
0x61: {  	_ =	shalt  }
0x62: {  	_ =	shalt  }
0x63: {  	_ =	shalt  }
0x64: {  	_ =	shalt  }
0x65: {  	_ =	shalt  }
0x66: {  	_ =	shalt  }
0x67: {  	_ =	shalt  }
0x68: {  	_ =	shalt  }
0x69: {  	_ =	shalt  }
0x6a: {  	_ =	shalt  }
0x6b: {  	_ =	shalt  }
0x6c: {  	_ =	shalt  }
0x6d: {  	_ =	shalt  }
0x6e: {  	_ =	shalt  }
0x6f: {  	_ =	shalt  }
0x70: {  	_ =	shalt  }
0x71: {  	_ =	shalt  }
0x72: {  	_ =	shalt  }
0x73: {  	_ =	shalt  }
0x74: {  	_ =	shalt  }
0x75: {  	_ =	shalt  }
0x76: {  	_ =	shalt  }
0x77: {  	_ =	shalt  }
0x78: {  	_ =	shalt  }
0x79: {  	_ =	shalt  }
0x7a: {  	_ =	shalt  }
0x7b: {  	_ =	shalt  }
0x7c: {  	_ =	shalt  }
0x7d: {  	_ =	shalt  }
0x7e: {  	_ =	shalt  }
0x7f: {  	_ =	shalt  }
0x80: {  	_ =	shalt  }
0x81: {  	_ =	shalt  }
0x82: {  	_ =	shalt  }
0x83: {  	_ =	shalt  }
0x84: {  	_ =	shalt  }
0x85: {  	_ =	shalt  }
0x86: {  	_ =	shalt  }
0x87: {  	_ =	shalt  }
.Lfunc_end0:
.L_simem_size_0:
called_computation_lowered:
.L_overlay_start_0:
0x88: {  	s0 =	sld [smem:$0x3FD9]  }
0x89: {  	s1 =	sld [smem:$0x3FFE];
	_ =	sdelay $0x3  }
0x8a: {  	s0 =	sadd.s32 s1, s0  }
0x8b: {  	[smem:$0x3FC6] =	sst s0  }
0x8c: {  	_ = 	snop  }
0x8d: {  	s0 =	sld [smem:$0x3FC8]  }
0x8e: {  	s16 =	sld [smem:$0x3FD0];
	(tm) =	ssettm $0x1  }
0x8f: {  	s2 =	sld [smem:$0x3FFB];
	_ =	sdelay $0x3  }
0x90: {  	_ =	strace s2  }
0x91: {  	s2 =	sld [smem:$0x3FFC];
	_ =	sdelay $0x3  }
0x92: {  	_ =	strace s2  }
0x93: {  	s2 =	sld [smem:$0x3FFD];
	_ =	sdelay $0x3  }
0x94: {  	_ =	strace s2  }
0x95: {  	_ =	strace $0x8FFFFFFF  }
0x96: {  	s17 =	sld [smem:$0x3FDB];
	_ =	sdelay $0x1  }
0x97: {  	s3 =	simm.s32 $_scs_section_size  }
0x98: {  	s4 =	simm.s32 $_size__tile_overlayer_lowered;
	s5 =	simm.s32 $_tile_overlayer_lowered  }
0x99: {  	s20 =	simm.s32 $0x1BFF;
	s19 =	sshll.u32 s5, $0x1;
	s2 =	sadd.s32 s3, s17  }
0x9a: {  	s6 =	simm.s32 $0x0;
	s18 =	sshll.u32 s4, $0x1;
	s4 =	sadd.s32 s19, s2  }
0x9b: {  	[timem:s6], [sflag:s20] =	dma.local [hbm:s4], s18  }
0x9c: {  	_ =	swait.ge [sflag:s20], s18  }
0x9d: {  	s3 =	ssub.s32 $0x0, s18;
	[sflag:s20] =	ssyncset.done $0x0  }
0x9e: {  	[sflag:s20] =	ssyncadd.s32 s3;
	_ =	sdelay $0x1  }
0x9f: {  	s21 =	simm.s32 $0x1B8B  }
0xa0: {  	_ =	swait.ge [sflag:s21], $0x1  }
0xa1: {  	[sflag:s21] =	ssyncset.done $0x0  }
0xa2: {  	s23 =	simm.s32 $0x1B8E;
	s22 =	sld [smem:$0x3FFE];
	[sflag:s21] =	ssyncadd.s32 $0xFFFFFFFF  }
0xa3: {  	s24 =	simm.s32 $execute0_lowered;
	[smem:$0x3FD2] =	sst s23  }
0xa4: {  	s4 =	sshll.u32 s24, $0x1;
	_ =	strace $0x80000046;
	[dreg:$0x1] =	wrdreg $0xFFFFFFFF  }
0xa5: {  	s25 =	simm.s32 $_size_execute0_lowered;
	s2 =	sadd.s32 s2, s4;
	[dreg:$0x0] =	wrdreg $0x0  }
0xa6: {  	s4 =	sshll.u32 s25, $0x1;
	[dreg:$0x2] =	wrdreg s2  }
0xa7: {  	[dreg:$0x3] =	wrdreg s4  }
0xa8: {  	[dreg:$0x4] =	wrdreg $0xC0  }
0xa9: {  	_ =	task [dreg:s6], $0x5FFFF  }
0xaa: {  	[dreg:$0x1] =	wrdreg $0xFFFFFFFF  }
0xab: {  	[dreg:$0x0] =	wrdreg $0x60  }
0xac: {  	[dreg:$0x2] =	wrdreg s16  }
0xad: {  	[dreg:$0x3] =	wrdreg s0  }
0xae: {  	[dreg:$0x4] =	wrdreg s22  }
0xaf: {  	[dreg:$0x5] =	wrdreg $0x9  }
0xb0: {  	_ =	task.clear_ibuf [dreg:s6], $0x6FFFF;
	_ =	strace $0x90000046  }
0xb1: {  	s26 =	simm.s32 $0x9;
	_ =	strace $0x80000048  }
0xb2: {  	_ =	swait.ge [sflag:s26], $0x1  }
0xb3: {  	[sflag:s26] =	ssyncadd.s32 $0xFFFFFFFF  }
0xb4: {  	_ =	strace $0x90000048  }
0xb5: {  	_ =	sfence  }
0xb6: {  	s28 =	sld [smem:$0x0];
	_ =	sdelay $0x1  }
0xb7: {  	s29 =	srdreg.scid  }
0xb8: {  	s30 =	sshll.u32 s29, $0xD;
	s31 =	sshrl.u32 s29, $0x2  }
0xb9: {  	s1 =	sand.u32 $0x1, s29;
	s2 =	sand.u32 $0x4000, s30;
	s0 =	sadd.s32 s31, s28  }
0xba: {  	s1 =	sor.u32 s2, s1;
	s0 =	sshll.u32 s0, $0x11  }
0xbb: {  	s0 =	sor.u32 s0, s1  }
0xbc: {  	s0 =	sadd.s32 $0x8F2B, s0  }
0xbd: {  	[sflag:s0] =	ssyncadd.remote.s32 $0x1  }
0xbe: {  	_ =	sfence.sel $0xFFFF  }
0xbf: {  	[dreg:$0x0] =	wrdreg $0xFFFFFFFF;
	(pc) =	sbr.abs _section_cstart, $3  }
0xc0: {  	[dreg:$0x1] =	wrdreg $0xFFFFFFFF  }
0xc1: {  	_ =	task.clear_ibuf [dreg:s6], $0x2FFFF;
	_ =	strace $0x9FFFFFFF  }
0xc2: {  	(tm) =	ssettm $0x7FFFFFFF  }
0xc3: {  	_ =	shalt  }
tec
execute0_lowered:
.L_overlay_start_1:
0x0: {  	(tag) =	ssettag $0x1  }
0x1: {  	s1 =	rddreg [dreg:$0x0]  }
0x2: {  	s2 =	rddreg [dreg:$0x1];
	s4 =	stileid.u32  }
0x3: {  	s3 =	rddreg [dreg:$0x2];
	p0 =	sne.s32 s4, $0x0  }
0x4: {  	s0 =	rddreg [dreg:$0x3];
	_ =	strace $0x80000047;
	s4 =	simm.s32 @!p0 $0x0  }
0x5: {  	[tilespmem:s4], [sflag:$0x1] =	stream.linear.gather @!p0 [hbm4b:s1+s4], $0x18, $0x38;
	[tilespmem:$0x100] =	vst v63  }
0x6: {  	s1 =	simm.s32 @!p0 $0x80  }
0x7: {  	[tilespmem:s1], [sflag:$0x2] =	stream.linear.gather @!p0 [hbm4b:s2+s4], $0x2, $0x38;
	[tilespmem:$0x100] =	vst v63  }
0x8: {  	s1 =	simm.s32 @!p0 $0x2  }
0x9: {  	_ =	swait.ge @!p0 [sflag:s1], $0x2  }
0xa: {  	[sflag:s1] =	ssyncset.done @!p0 $0x0  }
0xb: {  	[sflag:s1] =	ssyncadd.s32 @!p0 $0xFFFFFFFE  }
0xc: {  	v0 =	vld @!p0 [tilespmem:$0x80];
	_ =	sdelay $0x3  }
0xd: {  	vm0 =	vmmov @!p0 $0x1  }
0xe: {  	v1 =	vnsel @!p0 vm0, $0x0, v0;
	vm0 =	vcmask @!p0 $0x308  }
0xf: {  	(xrf0) =	vadd.scan.msk.s32 @!p0 $0xffff, v1;
	v0 =	vsel @!p0 vm0, $0x0, v0  }
0x10: {  	(xrf0) =	vadd.scan.msk.s32 @!p0 $0xffff, v0;
	_ =	sdelay $0x4  }
0x11: {  	v0, _, _ =	vpop @!p0 (xrf0)  }
0x12: {  	s1 =	simm.s32 @!p0 $0x1;
	v1, _, _ =	vpop @!p0 (xrf0)  }
0x13: {  	_ =	swait.ge @!p0 [sflag:s1], $0x18  }
0x14: {  	v2 =	vimm.s32 @!p0 $0x3030202;
	[sflag:s1] =	ssyncset.done @!p0 $0x0  }
0x15: {  	v2 =	vunpack.c.0.s8.s32 @!p0 v2;
	[sflag:s1] =	ssyncadd.s32 @!p0 $0xFFFFFFE8  }
0x16: {  	v3 =	vimm.s32 @!p0 $0x2;
	vm1 =	vcmask @!p0 $0xF00;
	vm0 =	vcmask @!p0 $0x1700;
	v4 =	vld @!p0 [tilespmem:$0x0]  }
0x17: {  	v2 =	vnsel @!p0 vm1, $0x5, v2;
	v3 =	vsel @!p0 vm0, $0x0, v3;
	vm0 =	vcmask @!p0 $0x2F18;
	v5 =	vld @!p0 [tilespmem:$0x10]  }
0x18: {  	v3 =	vsel @!p0 vm0, $0x1, v3;
	vm0 =	vcmask @!p0 $0x1F10;
	v0 =	vbroadcast @!p0 v0, $0xF  }
0x19: {  	v2 =	vsel @!p0 vm0, $0x3, v2;
	vm0 =	vcmask @!p0 $0x3720;
	v1 =	vbroadcast @!p0 v1, $0xF  }
0x1a: {  	v2 =	vsel @!p0 vm0, $0x4, v2;
	vm1 =	veq.s32 @!p0 v0, v3  }
0x1b: {  	vm2 =	veq.s32 @!p0 v0, v2;
	vm0 =	veq.s32 @!p0 v1, v3;
	v0 =	vadd.f32 @!p0 $-1.000000010e-01, v4  }
0x1c: {  	vm0 =	vmor @!p0 vm1, vm0;
	vm1 =	veq.s32 @!p0 v1, v2;
	v1 =	vadd.f32 @!p0 $-1.000000010e-01, v5  }
0x1d: {  	v0 =	vsel @!p0 vm0, v0, v4;
	vm0 =	vmor @!p0 vm2, vm1  }
0x1e: {  	[tilespmem:$0x0] =	vst @!p0 v0;
	v0 =	vsel @!p0 vm0, v1, v5  }
0x1f: {  	s1 =	sadd.s32 $0x400, s3;
	[tilespmem:$0x10] =	vst @!p0 v0  }
0x20: {  	[hbm4b:s1+s4] =	stream.linear.scatter @!p0 [tilespmem:s4], [sflag:$0x3], $0x18, $0x38;
	[tilespmem:$0x100] =	vst v63  }
0x21: {  	s1 =	simm.s32 @!p0 $0x3  }
0x22: {  	_ =	swait.ge @!p0 [sflag:s1], $0x18  }
0x23: {  	[sflag:s1] =	ssyncset.done @!p0 $0x0  }
0x24: {  	[sflag:s1] =	ssyncadd.s32 @!p0 $0xFFFFFFE8  }
0x25: {  	_ =	sfence.sel $0x180000  }
0x26: {  	[bflag:$0x0] =	sbarrier.arrive $0xFFFF  }
0x27: {  	_ =	strace $0x90000047  }
0x28: {  	s0 =	sadd.s32 @!p0 $0x100000, s0;
	[bflag:$0x2] =	sbarrier.arrive $0xFFFF  }
0x29: {  	[sflag:s0] =	ssyncadd.tile.s32 @!p0 $0x1;
	_ =	shalt  }
.Lfunc_end2:
_tile_overlayer_lowered:
.L_overlay_start_2:
0x2a: {  	(tag) =	ssettag $0x2  }
0x2b: {  	s0 =	rddreg [dreg:$0x0];
	s2 =	stileid.u32  }
0x2c: {  	s1 =	rddreg [dreg:$0x1];
	p0 =	sne.s32 s2, $0x0  }
0x2d: {  	s3 =	rddreg [dreg:$0x2];
	[bflag:$0x3] =	sbarrier.arrive $0xFFFF;
	s2 =	simm.s32 @!p0 $0x1C03  }
0x2e: {  	[timem:s3], [sflag:s2] =	dma.local @!p0 [hbm:s0], s1  }
0x2f: {  	s0 =	simm.s32 @!p0 $0x3  }
0x30: {  	_ =	swait.ge @!p0 [sflag:s0], s1  }
0x31: {  	s1 =	ssub.s32 @!p0 $0x0, s1;
	[sflag:s0] =	ssyncset.done @!p0 $0x0  }
0x32: {  	[sflag:s0] =	ssyncadd.s32 @!p0 s1  }
0x33: {  	[bflag:$0x3] =	sbarrier.arrive $0xFFFF  }
0x34: {  	_ =	shalt  }

</sc_bundles>
